<compile_context>
chip_gen: v7x
topology: tpu7x:2x2x1
jax: 0.10.2.dev20260603
libtpu: 0.0.44.dev20260713+nightly
codegen_flags: <defaults>
</compile_context>

<pallas_src>
import dataclasses
import functools

import jax
import jax.numpy as jnp
from jax import lax
from jax.experimental import pallas as pl
from jax.experimental.pallas import tpu as pltpu
from jax.experimental.pallas import tpu_sc as plsc

NC = 2
NS = 16
NW = NC * NS
LANES = 16
B = 4000


def _sc_pass(pos, edge_index, n_nodes, n_edges):
    per_w = n_edges // NW
    n_blocks = per_w // B
    n_win = B // LANES

    mesh = plsc.VectorSubcoreMesh(core_axis_name="c", subcore_axis_name="s")

    cp = pltpu.CompilerParams()
    for fld, val in (("needs_layout_passes", False),
                     ("use_tc_tiling_on_sc", True)):
        if fld in pltpu.CompilerParams.__dataclass_fields__:
            cp = dataclasses.replace(cp, **{fld: val})

    @functools.partial(
        pl.kernel,
        compiler_params=cp,
        out_type=(
            jax.ShapeDtypeStruct((3 * n_edges,), jnp.float32),
            jax.ShapeDtypeStruct((NW, LANES), jnp.float32),
        ),
        mesh=mesh,
        scratch_types=[
            pltpu.VMEM_SHARED((3 * n_nodes,), jnp.float32),
            pltpu.VMEM((B,), jnp.int32),
            pltpu.VMEM((B,), jnp.int32),
            pltpu.VMEM((3 * B,), jnp.int32),
            pltpu.VMEM((3 * B,), jnp.int32),
            pltpu.VMEM((3 * B,), jnp.float32),
            pltpu.VMEM((3 * B,), jnp.float32),
            pltpu.VMEM((3 * B,), jnp.float32),
            pltpu.VMEM((LANES,), jnp.float32),
            pltpu.SemaphoreType.DMA,
            pltpu.SemaphoreType.DMA,
        ],
    )
    def body(pos_hbm, row_hbm, col_hbm, u_hbm, pmax_hbm, pos_sh, ridx, cidx,
             idx3r, idx3c, av, bv, uv, accv, sem1, sem2):
        cid = lax.axis_index("c")
        sid = lax.axis_index("s")
        wid = sid * NC + cid

        @pl.when(sid == 0)
        def _():
            pltpu.sync_copy(pos_hbm, pos_sh)

        plsc.subcore_barrier()

        accv[...] = jnp.zeros((LANES,), jnp.float32)
        base0 = wid * per_w

        @pl.loop(0, n_blocks)
        def _(bi):
            base = base0 + bi * B
            pltpu.sync_copy(row_hbm.at[pl.ds(base, B)], ridx)
            pltpu.sync_copy(col_hbm.at[pl.ds(base, B)], cidx)

            @pl.loop(0, n_win)
            def _(w):
                sl = pl.ds(w * LANES, LANES)
                rv3 = ridx[sl] * 3
                for d in range(3):
                    idx3r[pl.ds(d * B + w * LANES, LANES)] = rv3 + d

            cp1 = pltpu.async_copy(pos_sh.at[idx3r], av, sem1)

            @pl.loop(0, n_win)
            def _(w):
                sl = pl.ds(w * LANES, LANES)
                cv3 = cidx[sl] * 3
                for d in range(3):
                    idx3c[pl.ds(d * B + w * LANES, LANES)] = cv3 + d

            cp2 = pltpu.async_copy(pos_sh.at[idx3c], bv, sem2)
            cp1.wait()
            cp2.wait()

            def win(t, acc):
                sl = pl.ds(t * LANES, LANES)
                u = av[sl] - bv[sl]
                uv[sl] = u
                return jnp.maximum(acc, jnp.abs(u))

            acc = lax.fori_loop(0, 3 * n_win, win,
                                jnp.zeros((LANES,), jnp.float32))
            accv[...] = jnp.maximum(accv[...], acc)
            for d in range(3):
                pltpu.sync_copy(uv.at[pl.ds(d * B, B)],
                                u_hbm.at[pl.ds(d * n_edges + base, B)])

        pltpu.sync_copy(accv, pmax_hbm.at[wid])

    return body(pos.reshape(3 * n_nodes), edge_index[0], edge_index[1])


def _tc_rescale(u_flat, pmax, n_edges):
    blk = 128000
    grid = n_edges // blk

    rows_per_plane = n_edges // blk

    def body(pmax_ref, u_any, o_ref, sem):
        i = pl.program_id(0)
        for d in range(3):
            pltpu.make_async_copy(
                u_any.at[pl.ds(d * rows_per_plane + i, 1), :],
                o_ref.at[pl.ds(d, 1), :], sem).start()
        for d in range(3):
            pltpu.make_async_copy(
                u_any.at[pl.ds(d * rows_per_plane + i, 1), :],
                o_ref.at[pl.ds(d, 1), :], sem).wait()
        scale = 0.5 / jnp.max(pmax_ref[...])
        o_ref[...] = o_ref[...] * scale + 0.5

    out = pl.pallas_call(
        body,
        grid=(grid,),
        in_specs=[
            pl.BlockSpec((NW, LANES), lambda i: (0, 0)),
            pl.BlockSpec(memory_space=pl.ANY),
        ],
        out_specs=pl.BlockSpec((3, blk), lambda i: (0, i)),
        out_shape=jax.ShapeDtypeStruct((3, n_edges), jnp.float32),
        scratch_shapes=[pltpu.SemaphoreType.DMA],
    )(pmax, u_flat.reshape(3 * rows_per_plane, blk))
    return out


def kernel(pos, edge_index):
    n_nodes = pos.shape[0]
    n_edges = edge_index.shape[1]
    u_flat, pmax = _sc_pass(pos, edge_index, n_nodes, n_edges)
    out = _tc_rescale(u_flat, pmax, n_edges)
    return out.T

# --- scband reference (transcript-rebuilt; emitter-appended) ---
"""Pipeline reference for scband-cartesian-34428457845561 (READ-ONLY COPY).

The authoritative reference and input builder live on the scoring server;
editing this copy changes nothing except your own understanding.
"""

import jax, jax.numpy as jnp
import numpy as np

N_NODES = 100000
N_EDGES = 6400000

def setup_inputs(seed: int = 0) -> dict:
    key = jax.random.key(seed)
    k1, k2 = jax.random.split(key)
    pos = jax.random.normal(k1, (N_NODES, 3), dtype=jnp.float32)
    edge_index = jax.random.randint(k2, (2, N_EDGES), 0, N_NODES, dtype=jnp.int32)
    return {"pos": pos, "edge_index": edge_index}

def reference(pos, edge_index):
    # torch_geometric.transforms.Cartesian with norm=True, max_value=None, cat=True
    # (no pre-existing edge_attr, so cat is a no-op). edge_index is non-empty,
    # so the main branch of the wrapper's forward is exercised.
    row = edge_index[0]
    col = edge_index[1]
    # relative Cartesian coordinates of linked nodes (gather-gather-subtract)
    cart = jnp.take(pos, row, axis=0) - jnp.take(pos, col, axis=0)
    # norm=True, max_value=None -> normalize to [0, 1] by global max abs value
    max_value = jnp.max(jnp.abs(cart))
    cart = cart / (2 * max_value) + 0.5
    return cart

if __name__ == "__main__":
    import jax
    _d = setup_inputs()
    print(jax.jit(kernel)(*tuple(_d.values())))

</pallas_src>

<mosaic_0001>
#map = affine_map<(d0, d1) -> (0)>
#map1 = affine_map<(d0, d1) -> (0, 0)>
module attributes {stable_mosaic.version = 14 : i64} {
  func.func @body(%arg0: i32, %arg1: i32, %arg2: memref<300000xf32, #tpu.memory_space<hbm>>, %arg3: memref<6400000xi32, #tpu.memory_space<hbm>>, %arg4: memref<6400000xi32, #tpu.memory_space<hbm>>, %arg5: memref<19200000xf32, #tpu.memory_space<hbm>>, %arg6: memref<32x16xf32, #tpu.memory_space<hbm>>, %arg7: memref<300000xf32, #tpu.memory_space<vmem_shared>>, %arg8: memref<4000xi32, #tpu.memory_space<vmem>>, %arg9: memref<4000xi32, #tpu.memory_space<vmem>>, %arg10: memref<12000xi32, #tpu.memory_space<vmem>>, %arg11: memref<12000xi32, #tpu.memory_space<vmem>>, %arg12: memref<12000xf32, #tpu.memory_space<vmem>>, %arg13: memref<12000xf32, #tpu.memory_space<vmem>>, %arg14: memref<12000xf32, #tpu.memory_space<vmem>>, %arg15: memref<16xf32, #tpu.memory_space<vmem>>, %arg16: memref<!tpu.dma_semaphore, #tpu.memory_space<semaphore_mem>>, %arg17: memref<!tpu.dma_semaphore, #tpu.memory_space<semaphore_mem>>) attributes {dimension_semantics = [#tpu.dimension_semantics<core_parallel>, #tpu.dimension_semantics<subcore_parallel>], iteration_bounds = array<i64: 2, 16>, scalar_prefetch = 0 : i64, scratch_operands = 11 : i64, tpu.core_type = #tpu.core_type<sc_vector_subcore>, window_params = [{transform_indices = #map}, {transform_indices = #map}, {transform_indices = #map}, {transform_indices = #map}, {transform_indices = #map1}]} {
    %mul3A = arith.constant 2 : i32
    %mul3A_0 = arith.muli %arg1, %mul3A : i32
    %add3A = arith.addi %mul3A_0, %arg0 : i32
    %eq3A = arith.constant 0 : i32
    %eq3A_1 = arith.cmpi eq, %arg1, %eq3A : i32
    %convert_element_type3A = arith.extui %eq3A_1 : i1 to i32
    %cond3A = arith.constant 0 : i32
    %cond3A_2 = arith.cmpi ne, %convert_element_type3A, %cond3A : i32
    scf.if %cond3A_2 {
      "tpu.region"() ({
        %run_scoped3A = tpu.sem_alloc : memref<!tpu.dma_semaphore, #tpu.memory_space<semaphore_mem>>
        tpu.enqueue_dma source(%arg2 : memref<300000xf32, #tpu.memory_space<hbm>>) target(%arg7 : memref<300000xf32, #tpu.memory_space<vmem_shared>>) target_semaphore(%run_scoped3A : memref<!tpu.dma_semaphore, #tpu.memory_space<semaphore_mem>>)
        tpu.wait_dma2 semaphore(%run_scoped3A : memref<!tpu.dma_semaphore, #tpu.memory_space<semaphore_mem>>) src(%arg2 : memref<300000xf32, #tpu.memory_space<hbm>>) dst(%arg7 : memref<300000xf32, #tpu.memory_space<vmem_shared>>)
        tpu.yield
      }) : () -> ()
    } else {
    }
    %barrier3A = arith.constant 0 : index
    tpu.barrier barrier_id(%barrier3A)
    %broadcast_in_dim3A = arith.constant 0.000000e+00 : f32
    %broadcast_in_dim3A_3 = vector.broadcast %broadcast_in_dim3A : f32 to vector<16xf32>
    %swap3A = arith.constant 0 : index
    %swap3A_4 = tpu.vector_load %arg15[%swap3A] {strides = array<i32>} : memref<16xf32, #tpu.memory_space<vmem>>, vector<16xf32>,
    tpu.vector_store %arg15[%swap3A], %broadcast_in_dim3A_3 {strides = array<i32>} : memref<16xf32, #tpu.memory_space<vmem>>, vector<16xf32>,
    %mul3A_5 = arith.constant 200000 : i32
    %mul3A_6 = arith.muli %add3A, %mul3A_5 : i32
    %scan3A = arith.constant 0 : i32
    %scan3A_7 = arith.constant 50 : i32
    %scan3A_8 = arith.addi %scan3A, %scan3A_7 : i32
    %scan3A_9 = arith.constant 1 : i32
    scf.for %scan3A_11 = %scan3A to %scan3A_8 step %scan3A_9  : i32 {
      %mul3A_12 = arith.constant 1 : i32
      %mul3A_13 = arith.muli %scan3A_11, %mul3A_12 : i32
      %add3A_14 = arith.constant 0 : i32
      %add3A_15 = arith.addi %add3A_14, %mul3A_13 : i32
      %mul3A_16 = arith.constant 4000 : i32
      %mul3A_17 = arith.muli %add3A_15, %mul3A_16 : i32
      %add3A_18 = arith.addi %mul3A_6, %mul3A_17 : i32
      "tpu.region"() ({
        %run_scoped3A = tpu.sem_alloc : memref<!tpu.dma_semaphore, #tpu.memory_space<semaphore_mem>>
        %dma_start3A_52 = tpu.memref_slice %arg3[%add3A_18] : memref<6400000xi32, #tpu.memory_space<hbm>> -> memref<4000xi32, #tpu.memory_space<hbm>>
        %dma_start3A_53 = tpu.memref_slice %arg3[%add3A_18] : memref<6400000xi32, #tpu.memory_space<hbm>> -> memref<4000xi32, #tpu.memory_space<hbm>>
        tpu.enqueue_dma source(%dma_start3A_53 : memref<4000xi32, #tpu.memory_space<hbm>>) target(%arg8 : memref<4000xi32, #tpu.memory_space<vmem>>) target_semaphore(%run_scoped3A : memref<!tpu.dma_semaphore, #tpu.memory_space<semaphore_mem>>)
        %dma_wait3A_54 = tpu.memref_slice %arg3[%add3A_18] : memref<6400000xi32, #tpu.memory_space<hbm>> -> memref<4000xi32, #tpu.memory_space<hbm>>
        %dma_wait3A_55 = tpu.memref_slice %arg3[%add3A_18] : memref<6400000xi32, #tpu.memory_space<hbm>> -> memref<4000xi32, #tpu.memory_space<hbm>>
        tpu.wait_dma2 semaphore(%run_scoped3A : memref<!tpu.dma_semaphore, #tpu.memory_space<semaphore_mem>>) src(%dma_wait3A_55 : memref<4000xi32, #tpu.memory_space<hbm>>) dst(%arg8 : memref<4000xi32, #tpu.memory_space<vmem>>)
        tpu.yield
      }) : () -> ()
      "tpu.region"() ({
        %run_scoped3A = tpu.sem_alloc : memref<!tpu.dma_semaphore, #tpu.memory_space<semaphore_mem>>
        %dma_start3A_52 = tpu.memref_slice %arg4[%add3A_18] : memref<6400000xi32, #tpu.memory_space<hbm>> -> memref<4000xi32, #tpu.memory_space<hbm>>
        %dma_start3A_53 = tpu.memref_slice %arg4[%add3A_18] : memref<6400000xi32, #tpu.memory_space<hbm>> -> memref<4000xi32, #tpu.memory_space<hbm>>
        tpu.enqueue_dma source(%dma_start3A_53 : memref<4000xi32, #tpu.memory_space<hbm>>) target(%arg9 : memref<4000xi32, #tpu.memory_space<vmem>>) target_semaphore(%run_scoped3A : memref<!tpu.dma_semaphore, #tpu.memory_space<semaphore_mem>>)
        %dma_wait3A_54 = tpu.memref_slice %arg4[%add3A_18] : memref<6400000xi32, #tpu.memory_space<hbm>> -> memref<4000xi32, #tpu.memory_space<hbm>>
        %dma_wait3A_55 = tpu.memref_slice %arg4[%add3A_18] : memref<6400000xi32, #tpu.memory_space<hbm>> -> memref<4000xi32, #tpu.memory_space<hbm>>
        tpu.wait_dma2 semaphore(%run_scoped3A : memref<!tpu.dma_semaphore, #tpu.memory_space<semaphore_mem>>) src(%dma_wait3A_55 : memref<4000xi32, #tpu.memory_space<hbm>>) dst(%arg9 : memref<4000xi32, #tpu.memory_space<vmem>>)
        tpu.yield
      }) : () -> ()
      %scan3A_19 = arith.constant 0 : i32
      %scan3A_20 = arith.constant 250 : i32
      %scan3A_21 = arith.addi %scan3A_19, %scan3A_20 : i32
      %scan3A_22 = arith.constant 1 : i32
      scf.for %scan3A_52 = %scan3A_19 to %scan3A_21 step %scan3A_22  : i32 {
        %mul3A_53 = arith.constant 1 : i32
        %mul3A_54 = arith.muli %scan3A_52, %mul3A_53 : i32
        %add3A_55 = arith.constant 0 : i32
        %add3A_56 = arith.addi %add3A_55, %mul3A_54 : i32
        %mul3A_57 = arith.constant 16 : i32
        %mul3A_58 = arith.muli %add3A_56, %mul3A_57 : i32
        %get3A_59 = arith.index_cast %mul3A_58 : i32 to index
        %get3A_60 = tpu.vector_load %arg8[%get3A_59] {strides = array<i32>} : memref<4000xi32, #tpu.memory_space<vmem>>, vector<16xi32>,
        %mul3A_61 = arith.constant 3 : i32
        %mul3A_62 = vector.broadcast %mul3A_61 : i32 to vector<16xi32>
        %mul3A_63 = arith.muli %get3A_60, %mul3A_62 : vector<16xi32>
        %add3A_64 = arith.constant 0 : i32
        %add3A_65 = vector.broadcast %add3A_64 : i32 to vector<16xi32>
        %add3A_66 = arith.addi %mul3A_63, %add3A_65 : vector<16xi32>
        %mul3A_67 = arith.constant 16 : i32
        %mul3A_68 = arith.muli %add3A_56, %mul3A_67 : i32
        %add3A_69 = arith.constant 0 : i32
        %add3A_70 = arith.addi %add3A_69, %mul3A_68 : i32
        %swap3A_71 = arith.index_cast %add3A_70 : i32 to index
        %swap3A_72 = tpu.vector_load %arg10[%swap3A_71] {strides = array<i32>} : memref<12000xi32, #tpu.memory_space<vmem>>, vector<16xi32>,
        tpu.vector_store %arg10[%swap3A_71], %add3A_66 {strides = array<i32>} : memref<12000xi32, #tpu.memory_space<vmem>>, vector<16xi32>,
        %add3A_73 = arith.constant 1 : i32
        %add3A_74 = vector.broadcast %add3A_73 : i32 to vector<16xi32>
        %add3A_75 = arith.addi %mul3A_63, %add3A_74 : vector<16xi32>
        %mul3A_76 = arith.constant 16 : i32
        %mul3A_77 = arith.muli %add3A_56, %mul3A_76 : i32
        %add3A_78 = arith.constant 4000 : i32
        %add3A_79 = arith.addi %add3A_78, %mul3A_77 : i32
        %swap3A_80 = arith.index_cast %add3A_79 : i32 to index
        %swap3A_81 = tpu.vector_load %arg10[%swap3A_80] {strides = array<i32>} : memref<12000xi32, #tpu.memory_space<vmem>>, vector<16xi32>,
        tpu.vector_store %arg10[%swap3A_80], %add3A_75 {strides = array<i32>} : memref<12000xi32, #tpu.memory_space<vmem>>, vector<16xi32>,
        %add3A_82 = arith.constant 2 : i32
        %add3A_83 = vector.broadcast %add3A_82 : i32 to vector<16xi32>
        %add3A_84 = arith.addi %mul3A_63, %add3A_83 : vector<16xi32>
        %mul3A_85 = arith.constant 16 : i32
        %mul3A_86 = arith.muli %add3A_56, %mul3A_85 : i32
        %add3A_87 = arith.constant 8000 : i32
        %add3A_88 = arith.addi %add3A_87, %mul3A_86 : i32
        %swap3A_89 = arith.index_cast %add3A_88 : i32 to index
        %swap3A_90 = tpu.vector_load %arg10[%swap3A_89] {strides = array<i32>} : memref<12000xi32, #tpu.memory_space<vmem>>, vector<16xi32>,
        tpu.vector_store %arg10[%swap3A_89], %add3A_84 {strides = array<i32>} : memref<12000xi32, #tpu.memory_space<vmem>>, vector<16xi32>,
      }
      %scan3A_23 = arith.constant 250 : i32
      %dma_start3A = arith.constant 0 : i32
      %dma_start3A_24 = tpu.memref_slice %arg7[%dma_start3A] : memref<300000xf32, #tpu.memory_space<vmem_shared>> -> memref<300000xf32, #tpu.memory_space<vmem_shared>>
      tpu.enqueue_indirect_dma source(%dma_start3A_24 : memref<300000xf32, #tpu.memory_space<vmem_shared>>) target(%arg12 : memref<12000xf32, #tpu.memory_space<vmem>>) offsets(%arg10 : memref<12000xi32, #tpu.memory_space<vmem>>) semaphore(%arg16 : memref<!tpu.dma_semaphore, #tpu.memory_space<semaphore_mem>>)
      %scan3A_25 = arith.constant 0 : i32
      %scan3A_26 = arith.constant 250 : i32
      %scan3A_27 = arith.addi %scan3A_25, %scan3A_26 : i32
      %scan3A_28 = arith.constant 1 : i32
      scf.for %scan3A_52 = %scan3A_25 to %scan3A_27 step %scan3A_28  : i32 {
        %mul3A_53 = arith.constant 1 : i32
        %mul3A_54 = arith.muli %scan3A_52, %mul3A_53 : i32
        %add3A_55 = arith.constant 0 : i32
        %add3A_56 = arith.addi %add3A_55, %mul3A_54 : i32
        %mul3A_57 = arith.constant 16 : i32
        %mul3A_58 = arith.muli %add3A_56, %mul3A_57 : i32
        %get3A_59 = arith.index_cast %mul3A_58 : i32 to index
        %get3A_60 = tpu.vector_load %arg9[%get3A_59] {strides = array<i32>} : memref<4000xi32, #tpu.memory_space<vmem>>, vector<16xi32>,
        %mul3A_61 = arith.constant 3 : i32
        %mul3A_62 = vector.broadcast %mul3A_61 : i32 to vector<16xi32>
        %mul3A_63 = arith.muli %get3A_60, %mul3A_62 : vector<16xi32>
        %add3A_64 = arith.constant 0 : i32
        %add3A_65 = vector.broadcast %add3A_64 : i32 to vector<16xi32>
        %add3A_66 = arith.addi %mul3A_63, %add3A_65 : vector<16xi32>
        %mul3A_67 = arith.constant 16 : i32
        %mul3A_68 = arith.muli %add3A_56, %mul3A_67 : i32
        %add3A_69 = arith.constant 0 : i32
        %add3A_70 = arith.addi %add3A_69, %mul3A_68 : i32
        %swap3A_71 = arith.index_cast %add3A_70 : i32 to index
        %swap3A_72 = tpu.vector_load %arg11[%swap3A_71] {strides = array<i32>} : memref<12000xi32, #tpu.memory_space<vmem>>, vector<16xi32>,
        tpu.vector_store %arg11[%swap3A_71], %add3A_66 {strides = array<i32>} : memref<12000xi32, #tpu.memory_space<vmem>>, vector<16xi32>,
        %add3A_73 = arith.constant 1 : i32
        %add3A_74 = vector.broadcast %add3A_73 : i32 to vector<16xi32>
        %add3A_75 = arith.addi %mul3A_63, %add3A_74 : vector<16xi32>
        %mul3A_76 = arith.constant 16 : i32
        %mul3A_77 = arith.muli %add3A_56, %mul3A_76 : i32
        %add3A_78 = arith.constant 4000 : i32
        %add3A_79 = arith.addi %add3A_78, %mul3A_77 : i32
        %swap3A_80 = arith.index_cast %add3A_79 : i32 to index
        %swap3A_81 = tpu.vector_load %arg11[%swap3A_80] {strides = array<i32>} : memref<12000xi32, #tpu.memory_space<vmem>>, vector<16xi32>,
        tpu.vector_store %arg11[%swap3A_80], %add3A_75 {strides = array<i32>} : memref<12000xi32, #tpu.memory_space<vmem>>, vector<16xi32>,
        %add3A_82 = arith.constant 2 : i32
        %add3A_83 = vector.broadcast %add3A_82 : i32 to vector<16xi32>
        %add3A_84 = arith.addi %mul3A_63, %add3A_83 : vector<16xi32>
        %mul3A_85 = arith.constant 16 : i32
        %mul3A_86 = arith.muli %add3A_56, %mul3A_85 : i32
        %add3A_87 = arith.constant 8000 : i32
        %add3A_88 = arith.addi %add3A_87, %mul3A_86 : i32
        %swap3A_89 = arith.index_cast %add3A_88 : i32 to index
        %swap3A_90 = tpu.vector_load %arg11[%swap3A_89] {strides = array<i32>} : memref<12000xi32, #tpu.memory_space<vmem>>, vector<16xi32>,
        tpu.vector_store %arg11[%swap3A_89], %add3A_84 {strides = array<i32>} : memref<12000xi32, #tpu.memory_space<vmem>>, vector<16xi32>,
      }
      %scan3A_29 = arith.constant 250 : i32
      %dma_start3A_30 = arith.constant 0 : i32
      %dma_start3A_31 = tpu.memref_slice %arg7[%dma_start3A_30] : memref<300000xf32, #tpu.memory_space<vmem_shared>> -> memref<300000xf32, #tpu.memory_space<vmem_shared>>
      tpu.enqueue_indirect_dma source(%dma_start3A_31 : memref<300000xf32, #tpu.memory_space<vmem_shared>>) target(%arg13 : memref<12000xf32, #tpu.memory_space<vmem>>) offsets(%arg11 : memref<12000xi32, #tpu.memory_space<vmem>>) semaphore(%arg17 : memref<!tpu.dma_semaphore, #tpu.memory_space<semaphore_mem>>)
      %dma_wait3A = arith.constant 0 : i32
      %dma_wait3A_32 = tpu.memref_slice %arg7[%dma_wait3A] : memref<300000xf32, #tpu.memory_space<vmem_shared>> -> memref<300000xf32, #tpu.memory_space<vmem_shared>>
      tpu.wait_indirect_dma semaphore(%arg16 : memref<!tpu.dma_semaphore, #tpu.memory_space<semaphore_mem>>) src(%dma_wait3A_32 : memref<300000xf32, #tpu.memory_space<vmem_shared>>) dst(%arg12 : memref<12000xf32, #tpu.memory_space<vmem>>)
      %dma_wait3A_33 = arith.constant 0 : i32
      %dma_wait3A_34 = tpu.memref_slice %arg7[%dma_wait3A_33] : memref<300000xf32, #tpu.memory_space<vmem_shared>> -> memref<300000xf32, #tpu.memory_space<vmem_shared>>
      tpu.wait_indirect_dma semaphore(%arg17 : memref<!tpu.dma_semaphore, #tpu.memory_space<semaphore_mem>>) src(%dma_wait3A_34 : memref<300000xf32, #tpu.memory_space<vmem_shared>>) dst(%arg13 : memref<12000xf32, #tpu.memory_space<vmem>>)
      %broadcast_in_dim3A_35 = arith.constant 0.000000e+00 : f32
      %broadcast_in_dim3A_36 = vector.broadcast %broadcast_in_dim3A_35 : f32 to vector<16xf32>
      %scan3A_37 = arith.constant 0 : i32
      %scan3A_38 = arith.constant 750 : i32
      %scan3A_39 = arith.addi %scan3A_37, %scan3A_38 : i32
      %scan3A_40 = arith.constant 1 : i32
      %scan3A_41 = scf.for %scan3A_52 = %scan3A_37 to %scan3A_39 step %scan3A_40 iter_args(%scan3A_53 = %broadcast_in_dim3A_36) -> (vector<16xf32>)  : i32 {
        %mul3A_54 = arith.constant 16 : i32
        %mul3A_55 = arith.muli %scan3A_52, %mul3A_54 : i32
        %get3A_56 = arith.index_cast %mul3A_55 : i32 to index
        %get3A_57 = tpu.vector_load %arg12[%get3A_56] {strides = array<i32>} : memref<12000xf32, #tpu.memory_space<vmem>>, vector<16xf32>,
        %get3A_58 = arith.index_cast %mul3A_55 : i32 to index
        %get3A_59 = tpu.vector_load %arg13[%get3A_58] {strides = array<i32>} : memref<12000xf32, #tpu.memory_space<vmem>>, vector<16xf32>,
        %sub3A = arith.subf %get3A_57, %get3A_59 : vector<16xf32>
        %swap3A_60 = arith.index_cast %mul3A_55 : i32 to index
        %swap3A_61 = tpu.vector_load %arg14[%swap3A_60] {strides = array<i32>} : memref<12000xf32, #tpu.memory_space<vmem>>, vector<16xf32>,
        tpu.vector_store %arg14[%swap3A_60], %sub3A {strides = array<i32>} : memref<12000xf32, #tpu.memory_space<vmem>>, vector<16xf32>,
        %abs3A = math.absf %sub3A : vector<16xf32>
        %max3A_62 = arith.maximumf %scan3A_53, %abs3A : vector<16xf32>
        scf.yield %max3A_62 : vector<16xf32>
      }
      %scan3A_42 = arith.constant 750 : i32
      %get3A = arith.constant 0 : index
      %get3A_43 = tpu.vector_load %arg15[%get3A] {strides = array<i32>} : memref<16xf32, #tpu.memory_space<vmem>>, vector<16xf32>,
      %max3A = arith.maximumf %get3A_43, %scan3A_41 : vector<16xf32>
      %swap3A_44 = arith.constant 0 : index
      %swap3A_45 = tpu.vector_load %arg15[%swap3A_44] {strides = array<i32>} : memref<16xf32, #tpu.memory_space<vmem>>, vector<16xf32>,
      tpu.vector_store %arg15[%swap3A_44], %max3A {strides = array<i32>} : memref<16xf32, #tpu.memory_space<vmem>>, vector<16xf32>,
      %add3A_46 = arith.constant 0 : i32
      %add3A_47 = arith.addi %add3A_46, %add3A_18 : i32
      "tpu.region"() ({
        %run_scoped3A = tpu.sem_alloc : memref<!tpu.dma_semaphore, #tpu.memory_space<semaphore_mem>>
        %dma_start3A_52 = arith.constant 0 : i32
        %dma_start3A_53 = tpu.memref_slice %arg14[%dma_start3A_52] : memref<12000xf32, #tpu.memory_space<vmem>> -> memref<4000xf32, #tpu.memory_space<vmem>>
        %dma_start3A_54 = tpu.memref_slice %arg5[%add3A_47] : memref<19200000xf32, #tpu.memory_space<hbm>> -> memref<4000xf32, #tpu.memory_space<hbm>>
        %dma_start3A_55 = tpu.memref_slice %arg5[%add3A_47] : memref<19200000xf32, #tpu.memory_space<hbm>> -> memref<4000xf32, #tpu.memory_space<hbm>>
        %dma_start3A_56 = arith.constant 0 : i32
        %dma_start3A_57 = tpu.memref_slice %arg14[%dma_start3A_56] : memref<12000xf32, #tpu.memory_space<vmem>> -> memref<4000xf32, #tpu.memory_space<vmem>>
        tpu.enqueue_dma source(%dma_start3A_57 : memref<4000xf32, #tpu.memory_space<vmem>>) target(%dma_start3A_55 : memref<4000xf32, #tpu.memory_space<hbm>>) target_semaphore(%run_scoped3A : memref<!tpu.dma_semaphore, #tpu.memory_space<semaphore_mem>>)
        %dma_wait3A_58 = arith.constant 0 : i32
        %dma_wait3A_59 = tpu.memref_slice %arg14[%dma_wait3A_58] : memref<12000xf32, #tpu.memory_space<vmem>> -> memref<4000xf32, #tpu.memory_space<vmem>>
        %dma_wait3A_60 = tpu.memref_slice %arg5[%add3A_47] : memref<19200000xf32, #tpu.memory_space<hbm>> -> memref<4000xf32, #tpu.memory_space<hbm>>
        %dma_wait3A_61 = tpu.memref_slice %arg5[%add3A_47] : memref<19200000xf32, #tpu.memory_space<hbm>> -> memref<4000xf32, #tpu.memory_space<hbm>>
        %dma_wait3A_62 = arith.constant 0 : i32
        %dma_wait3A_63 = tpu.memref_slice %arg14[%dma_wait3A_62] : memref<12000xf32, #tpu.memory_space<vmem>> -> memref<4000xf32, #tpu.memory_space<vmem>>
        tpu.wait_dma2 semaphore(%run_scoped3A : memref<!tpu.dma_semaphore, #tpu.memory_space<semaphore_mem>>) src(%dma_wait3A_63 : memref<4000xf32, #tpu.memory_space<vmem>>) dst(%dma_wait3A_61 : memref<4000xf32, #tpu.memory_space<hbm>>)
        tpu.yield
      }) : () -> ()
      %add3A_48 = arith.constant 6400000 : i32
      %add3A_49 = arith.addi %add3A_48, %add3A_18 : i32
      "tpu.region"() ({
        %run_scoped3A = tpu.sem_alloc : memref<!tpu.dma_semaphore, #tpu.memory_space<semaphore_mem>>
        %dma_start3A_52 = arith.constant 4000 : i32
        %dma_start3A_53 = tpu.memref_slice %arg14[%dma_start3A_52] : memref<12000xf32, #tpu.memory_space<vmem>> -> memref<4000xf32, #tpu.memory_space<vmem>>
        %dma_start3A_54 = tpu.memref_slice %arg5[%add3A_49] : memref<19200000xf32, #tpu.memory_space<hbm>> -> memref<4000xf32, #tpu.memory_space<hbm>>
        %dma_start3A_55 = tpu.memref_slice %arg5[%add3A_49] : memref<19200000xf32, #tpu.memory_space<hbm>> -> memref<4000xf32, #tpu.memory_space<hbm>>
        %dma_start3A_56 = arith.constant 4000 : i32
        %dma_start3A_57 = tpu.memref_slice %arg14[%dma_start3A_56] : memref<12000xf32, #tpu.memory_space<vmem>> -> memref<4000xf32, #tpu.memory_space<vmem>>
        tpu.enqueue_dma source(%dma_start3A_57 : memref<4000xf32, #tpu.memory_space<vmem>>) target(%dma_start3A_55 : memref<4000xf32, #tpu.memory_space<hbm>>) target_semaphore(%run_scoped3A : memref<!tpu.dma_semaphore, #tpu.memory_space<semaphore_mem>>)
        %dma_wait3A_58 = arith.constant 4000 : i32
        %dma_wait3A_59 = tpu.memref_slice %arg14[%dma_wait3A_58] : memref<12000xf32, #tpu.memory_space<vmem>> -> memref<4000xf32, #tpu.memory_space<vmem>>
        %dma_wait3A_60 = tpu.memref_slice %arg5[%add3A_49] : memref<19200000xf32, #tpu.memory_space<hbm>> -> memref<4000xf32, #tpu.memory_space<hbm>>
        %dma_wait3A_61 = tpu.memref_slice %arg5[%add3A_49] : memref<19200000xf32, #tpu.memory_space<hbm>> -> memref<4000xf32, #tpu.memory_space<hbm>>
        %dma_wait3A_62 = arith.constant 4000 : i32
        %dma_wait3A_63 = tpu.memref_slice %arg14[%dma_wait3A_62] : memref<12000xf32, #tpu.memory_space<vmem>> -> memref<4000xf32, #tpu.memory_space<vmem>>
        tpu.wait_dma2 semaphore(%run_scoped3A : memref<!tpu.dma_semaphore, #tpu.memory_space<semaphore_mem>>) src(%dma_wait3A_63 : memref<4000xf32, #tpu.memory_space<vmem>>) dst(%dma_wait3A_61 : memref<4000xf32, #tpu.memory_space<hbm>>)
        tpu.yield
      }) : () -> ()
      %add3A_50 = arith.constant 12800000 : i32
      %add3A_51 = arith.addi %add3A_50, %add3A_18 : i32
      "tpu.region"() ({
        %run_scoped3A = tpu.sem_alloc : memref<!tpu.dma_semaphore, #tpu.memory_space<semaphore_mem>>
        %dma_start3A_52 = arith.constant 8000 : i32
        %dma_start3A_53 = tpu.memref_slice %arg14[%dma_start3A_52] : memref<12000xf32, #tpu.memory_space<vmem>> -> memref<4000xf32, #tpu.memory_space<vmem>>
        %dma_start3A_54 = tpu.memref_slice %arg5[%add3A_51] : memref<19200000xf32, #tpu.memory_space<hbm>> -> memref<4000xf32, #tpu.memory_space<hbm>>
        %dma_start3A_55 = tpu.memref_slice %arg5[%add3A_51] : memref<19200000xf32, #tpu.memory_space<hbm>> -> memref<4000xf32, #tpu.memory_space<hbm>>
        %dma_start3A_56 = arith.constant 8000 : i32
        %dma_start3A_57 = tpu.memref_slice %arg14[%dma_start3A_56] : memref<12000xf32, #tpu.memory_space<vmem>> -> memref<4000xf32, #tpu.memory_space<vmem>>
        tpu.enqueue_dma source(%dma_start3A_57 : memref<4000xf32, #tpu.memory_space<vmem>>) target(%dma_start3A_55 : memref<4000xf32, #tpu.memory_space<hbm>>) target_semaphore(%run_scoped3A : memref<!tpu.dma_semaphore, #tpu.memory_space<semaphore_mem>>)
        %dma_wait3A_58 = arith.constant 8000 : i32
        %dma_wait3A_59 = tpu.memref_slice %arg14[%dma_wait3A_58] : memref<12000xf32, #tpu.memory_space<vmem>> -> memref<4000xf32, #tpu.memory_space<vmem>>
        %dma_wait3A_60 = tpu.memref_slice %arg5[%add3A_51] : memref<19200000xf32, #tpu.memory_space<hbm>> -> memref<4000xf32, #tpu.memory_space<hbm>>
        %dma_wait3A_61 = tpu.memref_slice %arg5[%add3A_51] : memref<19200000xf32, #tpu.memory_space<hbm>> -> memref<4000xf32, #tpu.memory_space<hbm>>
        %dma_wait3A_62 = arith.constant 8000 : i32
        %dma_wait3A_63 = tpu.memref_slice %arg14[%dma_wait3A_62] : memref<12000xf32, #tpu.memory_space<vmem>> -> memref<4000xf32, #tpu.memory_space<vmem>>
        tpu.wait_dma2 semaphore(%run_scoped3A : memref<!tpu.dma_semaphore, #tpu.memory_space<semaphore_mem>>) src(%dma_wait3A_63 : memref<4000xf32, #tpu.memory_space<vmem>>) dst(%dma_wait3A_61 : memref<4000xf32, #tpu.memory_space<hbm>>)
        tpu.yield
      }) : () -> ()
    }
    %scan3A_10 = arith.constant 50 : i32
    "tpu.region"() ({
      %run_scoped3A = tpu.sem_alloc : memref<!tpu.dma_semaphore, #tpu.memory_space<semaphore_mem>>
      %dma_start3A = arith.constant 0 : i32
      %dma_start3A_11 = tpu.memref_slice %arg6[%add3A, %dma_start3A] : memref<32x16xf32, #tpu.memory_space<hbm>> -> memref<1x16xf32, #tpu.memory_space<hbm>>
      %dma_start3A_12 = tpu.memref_squeeze %dma_start3A_11 : memref<1x16xf32, #tpu.memory_space<hbm>> -> memref<16xf32, #tpu.memory_space<hbm>>
      %dma_start3A_13 = arith.constant 0 : i32
      %dma_start3A_14 = tpu.memref_slice %arg6[%add3A, %dma_start3A_13] : memref<32x16xf32, #tpu.memory_space<hbm>> -> memref<1x16xf32, #tpu.memory_space<hbm>>
      %dma_start3A_15 = tpu.memref_squeeze %dma_start3A_14 : memref<1x16xf32, #tpu.memory_space<hbm>> -> memref<16xf32, #tpu.memory_space<hbm>>
      tpu.enqueue_dma source(%arg15 : memref<16xf32, #tpu.memory_space<vmem>>) target(%dma_start3A_15 : memref<16xf32, #tpu.memory_space<hbm>>) target_semaphore(%run_scoped3A : memref<!tpu.dma_semaphore, #tpu.memory_space<semaphore_mem>>)
      %dma_wait3A = arith.constant 0 : i32
      %dma_wait3A_16 = tpu.memref_slice %arg6[%add3A, %dma_wait3A] : memref<32x16xf32, #tpu.memory_space<hbm>> -> memref<1x16xf32, #tpu.memory_space<hbm>>
      %dma_wait3A_17 = tpu.memref_squeeze %dma_wait3A_16 : memref<1x16xf32, #tpu.memory_space<hbm>> -> memref<16xf32, #tpu.memory_space<hbm>>
      %dma_wait3A_18 = arith.constant 0 : i32
      %dma_wait3A_19 = tpu.memref_slice %arg6[%add3A, %dma_wait3A_18] : memref<32x16xf32, #tpu.memory_space<hbm>> -> memref<1x16xf32, #tpu.memory_space<hbm>>
      %dma_wait3A_20 = tpu.memref_squeeze %dma_wait3A_19 : memref<1x16xf32, #tpu.memory_space<hbm>> -> memref<16xf32, #tpu.memory_space<hbm>>
      tpu.wait_dma2 semaphore(%run_scoped3A : memref<!tpu.dma_semaphore, #tpu.memory_space<semaphore_mem>>) src(%arg15 : memref<16xf32, #tpu.memory_space<vmem>>) dst(%dma_wait3A_20 : memref<16xf32, #tpu.memory_space<hbm>>)
      tpu.yield
    }) : () -> ()
    return
  }
}

module attributes {stable_mosaic.version = 14 : i64} {
  func.func @body(%arg0: i32, %arg1: memref<32x16xf32, #tpu.memory_space<vmem>>, %arg2: memref<150x128000xf32, #tpu.memory_space<any>>, %arg3: memref<3x128000xf32, #tpu.memory_space<vmem>>, %arg4: memref<!tpu.dma_semaphore, #tpu.memory_space<semaphore_mem>>) attributes {dimension_semantics = [#tpu.dimension_semantics<arbitrary>], iteration_bounds = array<i64: 50>, scalar_prefetch = 0 : i64, scratch_operands = 1 : i64, tpu.core_type = #tpu.core_type<tc>, window_params = [{pipeline_mode = #tpu.pipeline_mode<synchronous>, transform_indices = @transform_0, window_bounds = array<i64: 32, 16>}, {}, {transform_indices = @transform_2, window_bounds = array<i64: 3, 128000>}]} {
    %add3A = arith.constant 0 : i32
    %add3A_0 = arith.addi %add3A, %arg0 : i32
    %dma_start3A = arith.constant 0 : i32
    %dma_start3A_1 = arith.constant 0 : i32
    %dma_start3A_2 = tpu.memref_slice %arg3[%dma_start3A, %dma_start3A_1] : memref<3x128000xf32, #tpu.memory_space<vmem>> -> memref<1x128000xf32, #tpu.memory_space<vmem>>
    %dma_start3A_3 = arith.constant 0 : i32
    %dma_start3A_4 = tpu.memref_slice %arg2[%add3A_0, %dma_start3A_3] : memref<150x128000xf32, #tpu.memory_space<any>> -> memref<1x128000xf32, #tpu.memory_space<any>>
    tpu.enqueue_dma source(%dma_start3A_4 : memref<1x128000xf32, #tpu.memory_space<any>>) target(%dma_start3A_2 : memref<1x128000xf32, #tpu.memory_space<vmem>>) target_semaphore(%arg4 : memref<!tpu.dma_semaphore, #tpu.memory_space<semaphore_mem>>)
    %add3A_5 = arith.constant 50 : i32
    %add3A_6 = arith.addi %add3A_5, %arg0 : i32
    %dma_start3A_7 = arith.constant 1 : i32
    %dma_start3A_8 = arith.constant 0 : i32
    %dma_start3A_9 = tpu.memref_slice %arg3[%dma_start3A_7, %dma_start3A_8] : memref<3x128000xf32, #tpu.memory_space<vmem>> -> memref<1x128000xf32, #tpu.memory_space<vmem>>
    %dma_start3A_10 = arith.constant 0 : i32
    %dma_start3A_11 = tpu.memref_slice %arg2[%add3A_6, %dma_start3A_10] : memref<150x128000xf32, #tpu.memory_space<any>> -> memref<1x128000xf32, #tpu.memory_space<any>>
    tpu.enqueue_dma source(%dma_start3A_11 : memref<1x128000xf32, #tpu.memory_space<any>>) target(%dma_start3A_9 : memref<1x128000xf32, #tpu.memory_space<vmem>>) target_semaphore(%arg4 : memref<!tpu.dma_semaphore, #tpu.memory_space<semaphore_mem>>)
    %add3A_12 = arith.constant 100 : i32
    %add3A_13 = arith.addi %add3A_12, %arg0 : i32
    %dma_start3A_14 = arith.constant 2 : i32
    %dma_start3A_15 = arith.constant 0 : i32
    %dma_start3A_16 = tpu.memref_slice %arg3[%dma_start3A_14, %dma_start3A_15] : memref<3x128000xf32, #tpu.memory_space<vmem>> -> memref<1x128000xf32, #tpu.memory_space<vmem>>
    %dma_start3A_17 = arith.constant 0 : i32
    %dma_start3A_18 = tpu.memref_slice %arg2[%add3A_13, %dma_start3A_17] : memref<150x128000xf32, #tpu.memory_space<any>> -> memref<1x128000xf32, #tpu.memory_space<any>>
    tpu.enqueue_dma source(%dma_start3A_18 : memref<1x128000xf32, #tpu.memory_space<any>>) target(%dma_start3A_16 : memref<1x128000xf32, #tpu.memory_space<vmem>>) target_semaphore(%arg4 : memref<!tpu.dma_semaphore, #tpu.memory_space<semaphore_mem>>)
    %add3A_19 = arith.constant 0 : i32
    %add3A_20 = arith.addi %add3A_19, %arg0 : i32
    %dma_wait3A = arith.constant 0 : i32
    %dma_wait3A_21 = arith.constant 0 : i32
    %dma_wait3A_22 = tpu.memref_slice %arg3[%dma_wait3A, %dma_wait3A_21] : memref<3x128000xf32, #tpu.memory_space<vmem>> -> memref<1x128000xf32, #tpu.memory_space<vmem>>
    %dma_wait3A_23 = arith.constant 0 : i32
    %dma_wait3A_24 = tpu.memref_slice %arg2[%add3A_20, %dma_wait3A_23] : memref<150x128000xf32, #tpu.memory_space<any>> -> memref<1x128000xf32, #tpu.memory_space<any>>
    tpu.wait_dma2 semaphore(%arg4 : memref<!tpu.dma_semaphore, #tpu.memory_space<semaphore_mem>>) src(%dma_wait3A_24 : memref<1x128000xf32, #tpu.memory_space<any>>) dst(%dma_wait3A_22 : memref<1x128000xf32, #tpu.memory_space<vmem>>)
    %add3A_25 = arith.constant 50 : i32
    %add3A_26 = arith.addi %add3A_25, %arg0 : i32
    %dma_wait3A_27 = arith.constant 1 : i32
    %dma_wait3A_28 = arith.constant 0 : i32
    %dma_wait3A_29 = tpu.memref_slice %arg3[%dma_wait3A_27, %dma_wait3A_28] : memref<3x128000xf32, #tpu.memory_space<vmem>> -> memref<1x128000xf32, #tpu.memory_space<vmem>>
    %dma_wait3A_30 = arith.constant 0 : i32
    %dma_wait3A_31 = tpu.memref_slice %arg2[%add3A_26, %dma_wait3A_30] : memref<150x128000xf32, #tpu.memory_space<any>> -> memref<1x128000xf32, #tpu.memory_space<any>>
    tpu.wait_dma2 semaphore(%arg4 : memref<!tpu.dma_semaphore, #tpu.memory_space<semaphore_mem>>) src(%dma_wait3A_31 : memref<1x128000xf32, #tpu.memory_space<any>>) dst(%dma_wait3A_29 : memref<1x128000xf32, #tpu.memory_space<vmem>>)
    %add3A_32 = arith.constant 100 : i32
    %add3A_33 = arith.addi %add3A_32, %arg0 : i32
    %dma_wait3A_34 = arith.constant 2 : i32
    %dma_wait3A_35 = arith.constant 0 : i32
    %dma_wait3A_36 = tpu.memref_slice %arg3[%dma_wait3A_34, %dma_wait3A_35] : memref<3x128000xf32, #tpu.memory_space<vmem>> -> memref<1x128000xf32, #tpu.memory_space<vmem>>
    %dma_wait3A_37 = arith.constant 0 : i32
    %dma_wait3A_38 = tpu.memref_slice %arg2[%add3A_33, %dma_wait3A_37] : memref<150x128000xf32, #tpu.memory_space<any>> -> memref<1x128000xf32, #tpu.memory_space<any>>
    tpu.wait_dma2 semaphore(%arg4 : memref<!tpu.dma_semaphore, #tpu.memory_space<semaphore_mem>>) src(%dma_wait3A_38 : memref<1x128000xf32, #tpu.memory_space<any>>) dst(%dma_wait3A_36 : memref<1x128000xf32, #tpu.memory_space<vmem>>)
    %get3A = arith.constant 0 : index
    %get3A_39 = arith.constant 0 : index
    %get3A_40 = vector.load %arg1[%get3A, %get3A_39] : memref<32x16xf32, #tpu.memory_space<vmem>>, vector<32x16xf32>
    %reduce_max3A = vector.shape_cast %get3A_40 : vector<32x16xf32> to vector<1x32x16xf32>
    %reduce_max3A_41 = arith.constant dense<0xFF800000> : vector<1xf32>
    %reduce_max3A_42 = vector.multi_reduction <maximumf>, %reduce_max3A, %reduce_max3A_41 [1, 2] : vector<1x32x16xf32> to vector<1xf32>
    %reduce_max3A_43 = vector.shape_cast %reduce_max3A_42 : vector<1xf32> to vector<1x1x1xf32>
    %reduce_max3A_44 = vector.extract %reduce_max3A_43[0, 0, 0] : f32 from vector<1x1x1xf32>
    %div3A = arith.constant 5.000000e-01 : f32
    %div3A_45 = arith.divf %div3A, %reduce_max3A_44 : f32
    %get3A_46 = arith.constant 0 : index
    %get3A_47 = arith.constant 0 : index
    %get3A_48 = vector.load %arg3[%get3A_46, %get3A_47] : memref<3x128000xf32, #tpu.memory_space<vmem>>, vector<3x128000xf32>
    %mul3A = vector.broadcast %div3A_45 : f32 to vector<3x128000xf32>
    %mul3A_49 = arith.mulf %get3A_48, %mul3A : vector<3x128000xf32>
    %add3A_50 = arith.constant 5.000000e-01 : f32
    %add3A_51 = vector.broadcast %add3A_50 : f32 to vector<3x128000xf32>
    %add3A_52 = arith.addf %mul3A_49, %add3A_51 : vector<3x128000xf32>
    %swap3A = arith.constant 0 : index
    %swap3A_53 = arith.constant 0 : index
    %swap3A_54 = vector.load %arg3[%swap3A, %swap3A_53] : memref<3x128000xf32, #tpu.memory_space<vmem>>, vector<3x128000xf32>
    tpu.vector_store %arg3[%swap3A, %swap3A_53], %add3A_52 {strides = array<i32>} : memref<3x128000xf32, #tpu.memory_space<vmem>>, vector<3x128000xf32>,
    return
  }
  func.func @transform_0(%arg0: i32) -> (i32, i32) {
    %c0_i32 = arith.constant 0 : i32
    %c0_i32_0 = arith.constant 0 : i32
    %c0_i32_1 = arith.constant 0 : i32
    return %c0_i32, %c0_i32_0 : i32, i32
  }
  func.func @transform_2(%arg0: i32) -> (i32, i32) {
    %c0_i32 = arith.constant 0 : i32
    %c0_i32_0 = arith.constant 0 : i32
    return %c0_i32, %arg0 : i32, i32
  }
}

</mosaic_0001>

<sc_bundles>
// kernel: kernel.4.cloned.1.call-start
scs
__scs_entry_jumppad:
0x0: {  	(pc) =	sbr.rel $0x88, $3  }
0x1: {  	(tag) =	ssettag $0x0;
	lr =	simm.s32 $0x1  }
0x2: {  	[smem:$0x3F9F] =	sst lr;
	_ =	strace $0xD0000000  }
0x3: {  	_ = 	snop  }
0x4: {  	_ = 	snop  }
0x5: {  	_ = 	snop  }
0x6: {  	_ = 	snop  }
0x7: {  	_ = 	snop  }
__scs_overlays_trampoline_lowered:
0x8: {  	[smem:$0x3FAE] =	sst s0  }
0x9: {  	[smem:$0x3FAF] =	sst s1  }
0xa: {  	[smem:$0x3FB0] =	sst s2  }
0xb: {  	[smem:$0x3FB1] =	sst s3  }
0xc: {  	[smem:$0x3FB2] =	sst s4  }
0xd: {  	[smem:$0x3FB3] =	sst s5  }
0xe: {  	[smem:$0x3FB4] =	sst s6  }
0xf: {  	[smem:$0x3FB5] =	sst s7  }
0x10: {  	[smem:$0x3FB6] =	sst s8  }
0x11: {  	[smem:$0x3FB7] =	sst s9;
	s0 =	simm.s32 @!p0 $0x0  }
0x12: {  	s1 =	sld [smem:$0x3F9D];
	s0 =	simm.s32 @p0 $0x1  }
0x13: {  	[smem:$0x3FB8] =	sst s0;
	s0 =	simm.s32 @!p1 $0x0  }
0x14: {  	s2 =	sld [smem:$0x3F9C];
	s0 =	simm.s32 @p1 $0x1  }
0x15: {  	[smem:$0x3FB9] =	sst s0;
	s0 =	simm.s32 @!p2 $0x0  }
0x16: {  	s3 =	sld [smem:$0x3FDB];
	s0 =	simm.s32 @p2 $0x1  }
0x17: {  	s4 =	simm.s32 $0x1BF5;
	[smem:$0x3FBB] =	sst s0  }
0x18: {  	s0 =	sld [smem:$0x3F9E];
	_ =	swait.ge [sflag:s4], $0x0  }
0x19: {  	s7 =	sld [smem:$0x3F9F]  }
0x1a: {  	s8 =	sadd.s32 $0xFFFFE003, lr  }
0x1b: {  	s9 =	sadd.s32 $0xFFFFFEF7, lr;
	s5 =	simm.s32 $0xFFFFFFFF;
	p2 =	slt.u32 s8, $0xFFFFF086  }
0x1c: {  	p1 =	slt.u32 s9, $0xF7A;
	s5 =	simm.s32 @!p2 $0x0  }
0x1d: {  	s5 =	simm.s32 @p1 $0x1;
	p0 =	seq.s32 s7, s2  }
0x1e: {  	s7 =	smul.u32 @!p0 $0xF7A, s2;
	p2 =	seq.s32 @!p0 s5, $0x0  }
0x1f: {  	s9 =	smul.u32 $0xF7A, s1;
	s8 =	simm.s32 @!p0 $0x1BF5;
	p2 =	por !p2, p0  }
0x20: {  	[sflag:s8] =	ssyncset.s32 @!p0 $0xFFFFF086;
	s6 =	sadd.s32 @!p0 s3, s7;
	s7 =	simm.s32 @!p0 $0x108  }
0x21: {  	s3 =	sadd.s32 s3, s9;
	s6 =	sadd.s32 @!p0 $0x88, s6;
	s7 =	simm.s32 @p2 $0x1082  }
0x22: {  	[simem:s7], [sflag:s8] =	dma.local @!p0 [hbm:s6], $0xF7A  }
0x23: {  	s9 =	sor.u32 $0xD0000000, s2;
	s6 =	simm.s32 $0x108;
	_ =	swait.ge @!p0 [sflag:s8], $0x0  }
0x24: {  	s3 =	sadd.s32 $0x88, s3;
	s6 =	simm.s32 @!p1 $0x1082;
	[sflag:s4] =	ssyncset.s32 $0xFFFFF086  }
0x25: {  	[simem:s6], [sflag:s4] =	dma.local [hbm:s3], $0xF7A  }
0x26: {  	[smem:$0x3F9F] =	sst s1;
	(tag) =	ssettag s2;
	_ =	strace s9  }
0x27: {  	s1 =	sld [smem:$0x3FAF]  }
0x28: {  	s2 =	sld [smem:$0x3FB0]  }
0x29: {  	s4 =	sld [smem:$0x3FB2]  }
0x2a: {  	p0 =	seq.s32 s5, $0x0;
	s5 =	sld [smem:$0x3FB3]  }
0x2b: {  	s6 =	sld [smem:$0x3FB4]  }
0x2c: {  	s7 =	sld [smem:$0x3FB5]  }
0x2d: {  	s3 =	simm.s32 $0x108;
	s8 =	sld [smem:$0x3FB6]  }
0x2e: {  	s3 =	simm.s32 @!p0 $0x1082;
	s9 =	sld [smem:$0x3FB7]  }
0x2f: {  	lr =	sadd.s32 s0, s3;
	s0 =	sld [smem:$0x3FAE]  }
0x30: {  	s3 =	sld [smem:$0x3FB1]  }
0x31: {  	[smem:$0x3FBA] =	sst s10  }
0x32: {  	s10 =	sld [smem:$0x3FB8];
	_ =	sdelay $0x3  }
0x33: {  	p0 =	seq.s32 s10, $0x1;
	s10 =	sld [smem:$0x3FBA];
	_ =	sdelay $0x3  }
0x34: {  	[smem:$0x3FBA] =	sst s10  }
0x35: {  	s10 =	sld [smem:$0x3FB9];
	_ =	sdelay $0x3  }
0x36: {  	p1 =	seq.s32 s10, $0x1;
	s10 =	sld [smem:$0x3FBA];
	_ =	sdelay $0x3  }
0x37: {  	[smem:$0x3FBA] =	sst s10  }
0x38: {  	s10 =	sld [smem:$0x3FBB]  }
0x39: {  	_ = 	snop;
	(pc) =	sbr.ind lr, $3  }
0x3a: {  	_ = 	snop  }
0x3b: {  	_ = 	snop  }
0x3c: {  	p2 =	seq.s32 s10, $0x1;
	s10 =	sld [smem:$0x3FBA]  }
0x3d: {  	_ =	shalt  }
0x3e: {  	_ =	shalt  }
0x3f: {  	_ =	shalt  }
0x40: {  	_ =	shalt  }
0x41: {  	_ =	shalt  }
0x42: {  	_ =	shalt  }
0x43: {  	_ =	shalt  }
0x44: {  	_ =	shalt  }
0x45: {  	_ =	shalt  }
0x46: {  	_ =	shalt  }
0x47: {  	_ =	shalt  }
0x48: {  	_ =	shalt  }
0x49: {  	_ =	shalt  }
0x4a: {  	_ =	shalt  }
0x4b: {  	_ =	shalt  }
0x4c: {  	_ =	shalt  }
0x4d: {  	_ =	shalt  }
0x4e: {  	_ =	shalt  }
0x4f: {  	_ =	shalt  }
0x50: {  	_ =	shalt  }
0x51: {  	_ =	shalt  }
0x52: {  	_ =	shalt  }
0x53: {  	_ =	shalt  }
0x54: {  	_ =	shalt  }
0x55: {  	_ =	shalt  }
0x56: {  	_ =	shalt  }
0x57: {  	_ =	shalt  }
0x58: {  	_ =	shalt  }
0x59: {  	_ =	shalt  }
0x5a: {  	_ =	shalt  }
0x5b: {  	_ =	shalt  }
0x5c: {  	_ =	shalt  }
0x5d: {  	_ =	shalt  }
0x5e: {  	_ =	shalt  }
0x5f: {  	_ =	shalt  }
0x60: {  	_ =	shalt  }
0x61: {  	_ =	shalt  }
0x62: {  	_ =	shalt  }
0x63: {  	_ =	shalt  }
0x64: {  	_ =	shalt  }
0x65: {  	_ =	shalt  }
0x66: {  	_ =	shalt  }
0x67: {  	_ =	shalt  }
0x68: {  	_ =	shalt  }
0x69: {  	_ =	shalt  }
0x6a: {  	_ =	shalt  }
0x6b: {  	_ =	shalt  }
0x6c: {  	_ =	shalt  }
0x6d: {  	_ =	shalt  }
0x6e: {  	_ =	shalt  }
0x6f: {  	_ =	shalt  }
0x70: {  	_ =	shalt  }
0x71: {  	_ =	shalt  }
0x72: {  	_ =	shalt  }
0x73: {  	_ =	shalt  }
0x74: {  	_ =	shalt  }
0x75: {  	_ =	shalt  }
0x76: {  	_ =	shalt  }
0x77: {  	_ =	shalt  }
0x78: {  	_ =	shalt  }
0x79: {  	_ =	shalt  }
0x7a: {  	_ =	shalt  }
0x7b: {  	_ =	shalt  }
0x7c: {  	_ =	shalt  }
0x7d: {  	_ =	shalt  }
0x7e: {  	_ =	shalt  }
0x7f: {  	_ =	shalt  }
0x80: {  	_ =	shalt  }
0x81: {  	_ =	shalt  }
0x82: {  	_ =	shalt  }
0x83: {  	_ =	shalt  }
0x84: {  	_ =	shalt  }
0x85: {  	_ =	shalt  }
0x86: {  	_ =	shalt  }
0x87: {  	_ =	shalt  }
.Lfunc_end0:
.L_simem_size_0:
called_computation_lowered:
.L_overlay_start_0:
0x88: {  	s2 =	sld [smem:$0x3FD9]  }
0x89: {  	s3 =	sld [smem:$0x3FFE];
	_ =	sdelay $0x1  }
0x8a: {  	s1 =	srdreg.scid  }
0x8b: {  	s0 =	sand.u32 $0x1, s1  }
0x8c: {  	s17 =	sshll.u32 s0, $0xA;
	s2 =	sadd.s32 s3, s2  }
0x8d: {  	s2 =	sadd.s32 s2, s17  }
0x8e: {  	[smem:$0x3FC6] =	sst s2  }
0x8f: {  	_ = 	snop  }
0x90: {  	s2 =	sld [smem:$0x3FD0];
	(tm) =	ssettm $0x1  }
0x91: {  	s18 =	sld [smem:$0x3FFB];
	_ =	sdelay $0x3  }
0x92: {  	_ =	strace s18  }
0x93: {  	s3 =	sld [smem:$0x3FFC];
	_ =	sdelay $0x3  }
0x94: {  	_ =	strace s3  }
0x95: {  	s3 =	sld [smem:$0x3FFD];
	_ =	sdelay $0x3  }
0x96: {  	_ =	strace s3  }
0x97: {  	_ =	strace $0x8FFFFFFF  }
0x98: {  	s19 =	sld [smem:$0x3FDB];
	_ =	sdelay $0x1  }
0x99: {  	s4 =	simm.s32 $_scs_section_size  }
0x9a: {  	s5 =	simm.s32 $_size__tile_overlayer_lowered;
	s6 =	simm.s32 $_tile_overlayer_lowered  }
0x9b: {  	s22 =	simm.s32 $0x1BFF;
	s21 =	sshll.u32 s6, $0x1;
	s3 =	sadd.s32 s4, s19  }
0x9c: {  	s7 =	simm.s32 $0x0;
	s20 =	sshll.u32 s5, $0x1;
	s5 =	sadd.s32 s21, s3  }
0x9d: {  	[timem:s7], [sflag:s22] =	dma.local [hbm:s5], s20  }
0x9e: {  	_ =	swait.ge [sflag:s22], s20  }
0x9f: {  	s4 =	ssub.s32 $0x0, s20;
	[sflag:s22] =	ssyncset.done $0x0  }
0xa0: {  	[sflag:s22] =	ssyncadd.s32 s4;
	_ =	sdelay $0x1  }
0xa1: {  	s23 =	simm.s32 $0x1B8B  }
0xa2: {  	_ =	swait.ge [sflag:s23], $0x1  }
0xa3: {  	[sflag:s23] =	ssyncset.done $0x0  }
0xa4: {  	s25 =	simm.s32 $0x1B8E;
	s24 =	sld [smem:$0x3FFE];
	[sflag:s23] =	ssyncadd.s32 $0xFFFFFFFF  }
0xa5: {  	s26 =	simm.s32 $execute0_lowered;
	[smem:$0x3FD2] =	sst s25  }
0xa6: {  	s5 =	sshll.u32 s26, $0x1;
	_ =	strace $0x80000046;
	[dreg:$0x1] =	wrdreg $0xFFFFFFFF  }
0xa7: {  	s28 =	simm.s32 $_size_execute0_lowered;
	s3 =	sadd.s32 s3, s5;
	[dreg:$0x0] =	wrdreg $0x0  }
0xa8: {  	s5 =	sshll.u32 s28, $0x1;
	[dreg:$0x2] =	wrdreg s3  }
0xa9: {  	[dreg:$0x3] =	wrdreg s5  }
0xaa: {  	[dreg:$0x4] =	wrdreg $0xC0  }
0xab: {  	_ =	task [dreg:s7], $0x5FFFF  }
0xac: {  	[dreg:$0x1] =	wrdreg $0xFFFFFFFF  }
0xad: {  	[dreg:$0x0] =	wrdreg $0x60  }
0xae: {  	[dreg:$0x2] =	wrdreg s24  }
0xaf: {  	[dreg:$0x3] =	wrdreg s2  }
0xb0: {  	[dreg:$0x4] =	wrdreg $0x0  }
0xb1: {  	[dreg:$0x5] =	wrdreg $0x9  }
0xb2: {  	_ =	task.clear_ibuf [dreg:s7], $0x6FFFF;
	_ =	strace $0x90000046  }
0xb3: {  	s29 =	simm.s32 $0x9;
	_ =	strace $0x80000048  }
0xb4: {  	_ =	swait.ge [sflag:s29], $0x1  }
0xb5: {  	[sflag:s29] =	ssyncadd.s32 $0xFFFFFFFF  }
0xb6: {  	_ =	strace $0x90000048  }
0xb7: {  	_ =	sfence  }
0xb8: {  	s30 =	sld [smem:$0x0];
	_ =	sdelay $0x2  }
0xb9: {  	s31 =	sshll.u32 s1, $0xD;
	s1 =	sshrl.u32 s1, $0x2  }
0xba: {  	s3 =	sand.u32 $0x4000, s31;
	s1 =	sadd.s32 s1, s30  }
0xbb: {  	s0 =	sor.u32 s3, s0;
	s1 =	sshll.u32 s1, $0x11  }
0xbc: {  	s0 =	sor.u32 s1, s0  }
0xbd: {  	s0 =	sadd.s32 $0x8F2B, s0  }
0xbe: {  	[sflag:s0] =	ssyncadd.remote.s32 $0x1  }
0xbf: {  	_ =	sfence.sel $0xFFFF  }
0xc0: {  	[dreg:$0x0] =	wrdreg $0xFFFFFFFF;
	(pc) =	sbr.abs _section_cstart, $3  }
0xc1: {  	[dreg:$0x1] =	wrdreg $0xFFFFFFFF  }
0xc2: {  	_ =	task.clear_ibuf [dreg:s7], $0x2FFFF;
	_ =	strace $0x9FFFFFFF  }
0xc3: {  	(tm) =	ssettm $0x7FFFFFFF  }
tec
execute0_lowered:
.L_overlay_start_1:
0x0: {  	(tag) =	ssettag $0x1  }
0x1: {  	s7 =	rddreg [dreg:$0x0]  }
0x2: {  	s1 =	rddreg [dreg:$0x1]  }
0x3: {  	s2 =	rddreg [dreg:$0x2]  }
0x4: {  	s0 =	rddreg [dreg:$0x3]  }
0x5: {  	s3 =	simm.s32 $0x0;
	s4 =	srdreg.scid;
	s8 =	stileid.u32  }
0x6: {  	s12 =	simm.s32 $0x3;
	s13 =	simm.s32 $0x5940;
	s14 =	simm.s32 $0x2EE0  }
0x7: {  	s15 =	simm.s32 $0x6940;
	s16 =	simm.s32 $0xC740;
	s17 =	simm.s32 $0x9840  }
0x8: {  	s18 =	simm.s32 $0xF640;
	s19 =	simm.s32 $0x1;
	s20 =	simm.s32 $0x2  }
0x9: {  	s21 =	simm.s32 $0x12540;
	s22 =	simm.s32 $0x134E0;
	s23 =	simm.s32 $0x14480  }
0xa: {  	s24 =	simm.s32 $0x15440;
	s25 =	simm.s32 $0x0;
	[smem:$0x7FF] =	sst s3  }
0xb: {  	s6 =	sand.u32 $0x1, s4;
	s5 =	sshll.u32 s8, $0x1;
	s4 =	sadd.s32 $0xC00, s7  }
0xc: {  	p0 =	sne.s32 s8, $0x0;
	_ =	strace $0x80000047;
	s9 =	sor.u32 s6, s5  }
0xd: {  	s5 =	sadd.s32 $0xCD600, s7;
	s11 =	ssub.s32 $0x2, s6;
	s10 =	sshll.u32 s9, $0x4  }
0xe: {  	s6 =	sadd.s32 $0xA000, s7;
	s31 =	sshrl.u32 s11, $0x1;
	s10 =	sadd.s32 s10, s7  }
0xf: {  	s11 =	ssub.s32 s11, s31;
	s7 =	smul.u32 $0x30D40, s9;
	s8 =	sadd.s32 $0x190C00, s10  }
0x10: {  	v0 =	vimm.f32 $0.0e+00;
	s9 =	smax.u32 s11, $0x1;
	s10 =	sshrl.u32 @!p0 s2, $0x3;
	s11 =	simm.s32 $0x4940  }
.LBB2_1:
0x11: {  	s26 =	simm.s32 @!p0 $0x1C03  }
0x12: {  	[spmem:s10], [sflag:s26] =	dma.local @!p0 [hbm:s4], $0x9280  }
0x13: {  	s26 =	simm.s32 @!p0 $0x3  }
0x14: {  	_ =	swait.ge @!p0 [sflag:s26], $0x9280  }
0x15: {  	[sflag:s26] =	ssyncset.done @!p0 $0x0  }
0x16: {  	[sflag:s26] =	ssyncadd.s32 @!p0 $0xFFFF6D80  }
0x17: {  	[bflag:$0x0] =	sbarrier.arrive $0xFFFF  }
0x18: {  	s26 =	simm.s32 $0x0;
	[tilespmem:$0x15440] =	vst v0  }
.LBB2_2:
0x19: {  	s28 =	smul.u32 $0xFA0, s26;
	_ =	sdelay $0x1  }
0x1a: {  	s28 =	sadd.s32 s7, s28  }
0x1b: {  	s28 =	sshrl.u32 s28, $0x3  }
0x1c: {  	s30 =	simm.s32 $0x0;
	s29 =	sadd.s32 s5, s28  }
0x1d: {  	[tilespmem:s11], [sflag:$0x3] =	stream.linear.gather [hbm4b:s29+s30], $0xFA0, $0x38;
	[tilespmem:$0x154C0] =	vst v63  }
0x1e: {  	_ =	swait.ge [sflag:s12], $0xFA0  }
0x1f: {  	[sflag:s12] =	ssyncset.done $0x0  }
0x20: {  	s29 =	sadd.s32 s6, s28;
	[sflag:s12] =	ssyncadd.s32 $0xFFFFF060  }
0x21: {  	[tilespmem:s13], [sflag:$0x3] =	stream.linear.gather [hbm4b:s29+s30], $0xFA0, $0x38;
	[tilespmem:$0x154C0] =	vst v63  }
0x22: {  	_ =	swait.ge [sflag:s12], $0xFA0  }
0x23: {  	[sflag:s12] =	ssyncset.done $0x0  }
0x24: {  	s29 =	simm.s32 $0x0;
	[sflag:s12] =	ssyncadd.s32 $0xFFFFF060  }
0x25: {  	v1 =	vld [tilespmem:s29+$0x4940];
	_ =	sdelay $0x2  }
0x26: {  	s30 =	simm.s32 $0x40  }
.LBB2_3:
0x27: {  	p1 =	sne.s32 s30, $0x3E40  }
.Ltmp0:
0x28: {  	s31 =	sshra.s32 s30, $0x2;
	s30 =	sadd.s32 $0x40, s30;
	v2 =	vmul.u32 $0x3, v1;
	(pc) =	sbr.rel @p1 .LBB2_3-.Ltmp0, $4  }
0x29: {  	v1 =	vld [tilespmem:s31+$0x4940]  }
0x2a: {  	[tilespmem:s29+$0x6940] =	vst v2;
	v3 =	vadd.s32 $0x1, v2;
	v2 =	vadd.s32 $0x2, v2  }
0x2b: {  	[tilespmem:s29+$0x8880] =	vst v2  }
0x2c: {  	[tilespmem:s29+$0x78E0] =	vst v3;
	s29 =	smov.u32 s31  }
0x2d: {  	_ = 	snop  }
0x2e: {  	v1 =	vmul.u32 $0x3, v1;
	_ =	sdelay $0x1  }
0x2f: {  	[tilespmem:s29+$0x6940] =	vst v1;
	v2 =	vadd.s32 $0x2, v1  }
0x30: {  	v1 =	vadd.s32 $0x1, v1;
	[tilespmem:s29+$0x8880] =	vst v2  }
0x31: {  	[tilespmem:s29+$0x78E0] =	vst v1;
	s29 =	simm.s32 $0x0  }
0x32: {  	[tilespmem:s16], [sflag:$0x1] =	stream.indirect.gather [spmem:s2], $0x1, s15, s14, $0xb8;
	[tilespmem:$0x154C0] =	vst v63  }
0x33: {  	v1 =	vld [tilespmem:s29+$0x5940];
	_ =	sdelay $0x2  }
0x34: {  	s30 =	simm.s32 $0x40  }
.LBB2_5:
0x35: {  	p1 =	sne.s32 s30, $0x3E40  }
.Ltmp1:
0x36: {  	s31 =	sshra.s32 s30, $0x2;
	s30 =	sadd.s32 $0x40, s30;
	v2 =	vmul.u32 $0x3, v1;
	(pc) =	sbr.rel @p1 .LBB2_5-.Ltmp1, $4  }
0x37: {  	v1 =	vld [tilespmem:s31+$0x5940]  }
0x38: {  	[tilespmem:s29+$0x9840] =	vst v2;
	v3 =	vadd.s32 $0x1, v2;
	v2 =	vadd.s32 $0x2, v2  }
0x39: {  	[tilespmem:s29+$0xB780] =	vst v2  }
0x3a: {  	[tilespmem:s29+$0xA7E0] =	vst v3;
	s29 =	smov.u32 s31  }
0x3b: {  	_ = 	snop  }
0x3c: {  	v1 =	vmul.u32 $0x3, v1;
	_ =	sdelay $0x1  }
0x3d: {  	[tilespmem:s29+$0x9840] =	vst v1;
	v2 =	vadd.s32 $0x2, v1  }
0x3e: {  	v1 =	vadd.s32 $0x1, v1;
	[tilespmem:s29+$0xB780] =	vst v2  }
0x3f: {  	[tilespmem:s29+$0xA7E0] =	vst v1  }
0x40: {  	[tilespmem:s18], [sflag:$0x2] =	stream.indirect.gather [spmem:s2], $0x1, s17, s14, $0xb8;
	[tilespmem:$0x154C0] =	vst v63  }
0x41: {  	_ =	swait.ge [sflag:s19], $0x2EE0  }
0x42: {  	[sflag:s19] =	ssyncset.done $0x0  }
0x43: {  	[sflag:s19] =	ssyncadd.s32 $0xFFFFD120  }
0x44: {  	_ =	swait.ge [sflag:s20], $0x2EE0  }
0x45: {  	[sflag:s20] =	ssyncset.done $0x0  }
0x46: {  	s29 =	simm.s32 $0x0;
	[sflag:s20] =	ssyncadd.s32 $0xFFFFD120  }
0x47: {  	v2 =	vld [tilespmem:s29+$0xC740]  }
0x48: {  	v3 =	vld [tilespmem:s29+$0xF640];
	_ =	sdelay $0x1  }
0x49: {  	s30 =	simm.s32 $0x40;
	v1 =	vimm.f32 $0.0e+00  }
.LBB2_7:
0x4a: {  	p1 =	sne.s32 s30, $0xBB40  }
.Ltmp2:
0x4b: {  	s31 =	sshra.s32 s30, $0x2;
	(pc) =	sbr.rel @p1 .LBB2_7-.Ltmp2, $4  }
0x4c: {  	s30 =	sadd.s32 $0x40, s30;
	v4 =	vsub.f32 v2, v3;
	v2 =	vld [tilespmem:s31+$0xC740]  }
0x4d: {  	v3 =	vld [tilespmem:s31+$0xF640]  }
0x4e: {  	[tilespmem:s29+$0x12540] =	vst v4;
	v4 =	vand.u32 $0x7FFFFFFF, v4;
	s29 =	smov.u32 s31  }
0x4f: {  	v1 =	vmax.f32 v1, v4  }
0x50: {  	_ =	sdelay $0x1  }
0x51: {  	v2 =	vsub.f32 v2, v3;
	_ =	sdelay $0x1  }
0x52: {  	[tilespmem:s29+$0x12540] =	vst v2  }
0x53: {  	v3 =	vld [tilespmem:$0x15440];
	_ =	sdelay $0x2  }
0x54: {  	v2 =	vand.u32 $0x7FFFFFFF, v2  }
0x55: {  	v1 =	vmax.f32 v1, v2  }
0x56: {  	v1 =	vmax.f32 v3, v1  }
0x57: {  	s28 =	sadd.s32 s1, s28;
	[tilespmem:$0x15440] =	vst v1  }
0x58: {  	[hbm4b:s28+s3] =	stream.linear.scatter [tilespmem:s21], [sflag:$0x3], $0xFA0, $0x38;
	[tilespmem:$0x154C0] =	vst v63  }
0x59: {  	_ =	swait.ge [sflag:s12], $0xFA0  }
0x5a: {  	[sflag:s12] =	ssyncset.done $0x0  }
0x5b: {  	s31 =	sadd.s32 $0xC3500, s28;
	[sflag:s12] =	ssyncadd.s32 $0xFFFFF060  }
0x5c: {  	[hbm4b:s31+s3] =	stream.linear.scatter [tilespmem:s22], [sflag:$0x3], $0xFA0, $0x38;
	[tilespmem:$0x154C0] =	vst v63  }
0x5d: {  	s26 =	sadd.s32 $0x1, s26;
	_ =	swait.ge [sflag:s12], $0xFA0  }
0x5e: {  	p1 =	sne.s32 s26, $0x32;
	[sflag:s12] =	ssyncset.done $0x0  }
.Ltmp3:
0x5f: {  	s28 =	sadd.s32 $0x186A00, s28;
	[sflag:s12] =	ssyncadd.s32 $0xFFFFF060;
	(pc) =	sbr.rel @p1 .LBB2_2-.Ltmp3, $4  }
0x60: {  	[hbm4b:s28+s3] =	stream.linear.scatter [tilespmem:s23], [sflag:$0x3], $0xFA0, $0x38;
	[tilespmem:$0x154C0] =	vst v63  }
0x61: {  	_ =	swait.ge [sflag:s12], $0xFA0  }
0x62: {  	[sflag:s12] =	ssyncset.done $0x0  }
0x63: {  	[sflag:s12] =	ssyncadd.s32 $0xFFFFF060  }
0x64: {  	s25 =	sadd.s32 $0x1, s25  }
0x65: {  	p1 =	sne.s32 s25, s9  }
.Ltmp4:
0x66: {  	_ = 	snop;
	(pc) =	sbr.rel @p1 .LBB2_1-.Ltmp4, $4  }
0x67: {  	[hbm4b:s8+s3] =	stream.linear.scatter [tilespmem:s24], [sflag:$0x3], $0x80, $0x38;
	[tilespmem:$0x154C0] =	vst v63  }
0x68: {  	_ =	swait.ge [sflag:s12], $0x80  }
0x69: {  	[sflag:s12] =	ssyncset.done $0x0  }
0x6a: {  	[sflag:s12] =	ssyncadd.s32 $0xFFFFFF80  }
0x6b: {  	_ =	sfence.sel $0x180000  }
0x6c: {  	[bflag:$0x0] =	sbarrier.arrive $0xFFFF  }
0x6d: {  	_ =	strace $0x90000047  }
0x6e: {  	s0 =	sadd.s32 @!p0 $0x100000, s0;
	[bflag:$0x2] =	sbarrier.arrive $0xFFFF  }
0x6f: {  	[sflag:s0] =	ssyncadd.tile.s32 @!p0 $0x1;
	_ =	shalt  }
.Lfunc_end2:
_tile_overlayer_lowered:
.L_overlay_start_2:
0x70: {  	(tag) =	ssettag $0x2  }
0x71: {  	s0 =	rddreg [dreg:$0x0];
	s2 =	stileid.u32  }
0x72: {  	s1 =	rddreg [dreg:$0x1];
	p0 =	sne.s32 s2, $0x0  }
0x73: {  	s3 =	rddreg [dreg:$0x2];
	[bflag:$0x3] =	sbarrier.arrive $0xFFFF;
	s2 =	simm.s32 @!p0 $0x1C03  }
0x74: {  	[timem:s3], [sflag:s2] =	dma.local @!p0 [hbm:s0], s1  }
0x75: {  	s0 =	simm.s32 @!p0 $0x3  }
0x76: {  	_ =	swait.ge @!p0 [sflag:s0], s1  }
0x77: {  	s1 =	ssub.s32 @!p0 $0x0, s1;
	[sflag:s0] =	ssyncset.done @!p0 $0x0  }
0x78: {  	[sflag:s0] =	ssyncadd.s32 @!p0 s1  }
0x79: {  	[bflag:$0x3] =	sbarrier.arrive $0xFFFF  }
0x7a: {  	_ =	shalt  }

</sc_bundles>
